<compile_context>
chip_gen: v7x
topology: tpu7x:2x2x1
jax: 0.10.2.dev20260603
libtpu: 0.0.44.dev20260713+nightly
codegen_flags: <defaults>
</compile_context>

<pallas_src>
import jax
import jax.numpy as jnp
from jax import lax
from jax.experimental import pallas as pl
from jax.experimental.pallas import tpu as pltpu
from jax.experimental.pallas import tpu_sc as plsc

B = 4096
L = 200
D = 32

_NC = 2
_NS = 16
_NW = _NC * _NS

_PER_W_B = B // _NW
_SEQ_TOTAL = B * L
_PER_W_SEQ = _SEQ_TOTAL // _NW
_CH = 1600
_NCH = _PER_W_SEQ // _CH


def _din_body(uid_hbm, iid_hbm, seq_hbm, ut_hbm, it_hbm,
              user_out, item_out, seq_out,
              uidx_v, urows_v, iidx_v, irows_v,
              idx0, idx1, rows0, rows1,
              usem, isem, g0, g1, o0, o1):
    c = lax.axis_index("c")
    s = lax.axis_index("s")
    wid = s * _NC + c
    ub = wid * _PER_W_B
    sbase = wid * _PER_W_SEQ

    pltpu.sync_copy(uid_hbm.at[pl.ds(ub, _PER_W_B)], uidx_v)
    ucopy = pltpu.make_async_copy(ut_hbm.at[uidx_v], urows_v, usem)
    ucopy.start()
    pltpu.sync_copy(iid_hbm.at[pl.ds(ub, _PER_W_B)], iidx_v)
    icopy = pltpu.make_async_copy(it_hbm.at[iidx_v], irows_v, isem)
    icopy.start()

    idx = (idx0, idx1)
    rows = (rows0, rows1)
    gsem = (g0, g1)
    osem = (o0, o1)

    def load_and_gather(j, b):
        pltpu.sync_copy(seq_hbm.at[pl.ds(sbase + j * _CH, _CH)], idx[b])
        pltpu.make_async_copy(it_hbm.at[idx[b]], rows[b], gsem[b]).start()

    def writeback(j, b):
        return pltpu.make_async_copy(
            rows[b], seq_out.at[pl.ds(sbase + j * _CH, _CH)], osem[b])

    load_and_gather(0, 0)
    load_and_gather(1, 1)

    def outer(jj, carry):
        for b in range(2):
            j = 2 * jj + b
            pltpu.make_async_copy(it_hbm.at[idx[b]], rows[b], gsem[b]).wait()
            wb = writeback(j, b)
            wb.start()
            wb.wait()
            load_and_gather(j + 2, b)
        return carry

    lax.fori_loop(0, (_NCH - 2) // 2, outer, 0)

    pltpu.make_async_copy(it_hbm.at[idx[0]], rows[0], gsem[0]).wait()
    writeback(_NCH - 2, 0).start()
    pltpu.make_async_copy(it_hbm.at[idx[1]], rows[1], gsem[1]).wait()
    writeback(_NCH - 1, 1).start()
    writeback(_NCH - 2, 0).wait()
    writeback(_NCH - 1, 1).wait()

    ucopy.wait()
    pltpu.sync_copy(urows_v, user_out.at[pl.ds(ub, _PER_W_B)])
    icopy.wait()
    pltpu.sync_copy(irows_v, item_out.at[pl.ds(ub, _PER_W_B)])


@jax.jit
def _din_sc(uid_idx, iid_idx, seq_flat, user_table, item_table):
    mesh = plsc.VectorSubcoreMesh(core_axis_name="c", subcore_axis_name="s")
    f = pl.kernel(
        _din_body,
        out_type=(
            jax.ShapeDtypeStruct((B, D), jnp.float32),
            jax.ShapeDtypeStruct((B, D), jnp.float32),
            jax.ShapeDtypeStruct((_SEQ_TOTAL, D), jnp.float32),
        ),
        mesh=mesh,
        compiler_params=pltpu.CompilerParams(use_tc_tiling_on_sc=False),
        scratch_types=[
            pltpu.VMEM((_PER_W_B,), jnp.int32),
            pltpu.VMEM((_PER_W_B, D), jnp.float32),
            pltpu.VMEM((_PER_W_B,), jnp.int32),
            pltpu.VMEM((_PER_W_B, D), jnp.float32),
            pltpu.VMEM((_CH,), jnp.int32),
            pltpu.VMEM((_CH,), jnp.int32),
            pltpu.VMEM((_CH, D), jnp.float32),
            pltpu.VMEM((_CH, D), jnp.float32),
            pltpu.SemaphoreType.DMA,
            pltpu.SemaphoreType.DMA,
            pltpu.SemaphoreType.DMA,
            pltpu.SemaphoreType.DMA,
            pltpu.SemaphoreType.DMA,
            pltpu.SemaphoreType.DMA,
        ],
    )
    return f(uid_idx, iid_idx, seq_flat, user_table, item_table)


def kernel(uid_idx, iid_idx, seq_idx, mask, dense, user_table, item_table):
    del mask, dense
    seq_flat = seq_idx.reshape(_SEQ_TOTAL).astype(jnp.int32)
    user_embed, item_embed, seq_embed = _din_sc(
        uid_idx.astype(jnp.int32), iid_idx.astype(jnp.int32), seq_flat,
        user_table, item_table)
    return (user_embed, item_embed, seq_embed.reshape(B, L, D))

# --- scband reference (transcript-rebuilt; emitter-appended) ---
"""Pipeline reference for scband-din-63599875719414 (READ-ONLY COPY).

The authoritative reference and input builder live on the scoring server;
editing this copy changes nothing except your own understanding.
"""

import jax, jax.numpy as jnp
import numpy as np

B = 4096
L = 200
USER_NUM = 1000000
ITEM_NUM = 1000000
D = 32
DENSE_DIM = 13


def _xavier_uniform(key, fan_in, fan_out):
    a = float(np.sqrt(6.0 / (fan_in + fan_out)))
    return jax.random.uniform(key, (fan_in, fan_out), dtype=jnp.float32, minval=-a, maxval=a)


def setup_inputs(seed: int = 0) -> dict:
    key = jax.random.key(seed)
    k1, k2, k3, k4, k5, k6, k7 = jax.random.split(key, 7)
    uid_idx = jax.random.randint(k1, (B,), 0, USER_NUM, dtype=jnp.int64) if jax.config.jax_enable_x64 else jax.random.randint(k1, (B,), 0, USER_NUM).astype(jnp.int32)
    iid_idx = jax.random.randint(k2, (B,), 0, ITEM_NUM).astype(jnp.int32)
    seq_idx = jax.random.randint(k3, (B, L), 0, ITEM_NUM).astype(jnp.int32)
    mask = jax.random.uniform(k4, (B, L), dtype=jnp.float32)
    dense = jax.random.normal(k5, (B, DENSE_DIM), dtype=jnp.float32)
    user_table = _xavier_uniform(k6, USER_NUM, D)
    user_table = user_table.at[0].set(0.0)  # padding_idx=0
    item_table = _xavier_uniform(k7, ITEM_NUM, D)
    item_table = item_table.at[0].set(0.0)  # padding_idx=0
    return {
        "uid_idx": uid_idx,
        "iid_idx": iid_idx,
        "seq_idx": seq_idx,
        "mask": mask,
        "dense": dense,
        "user_table": user_table,
        "item_table": item_table,
    }


def reference(uid_idx, iid_idx, seq_idx, mask, dense, user_table, item_table):
    # Faithful translation of DIN.forward as written: three embedding lookups.
    # (mask and dense are accepted but unused, matching the module's forward body.)
    user_embed = jnp.take(user_table, uid_idx, axis=0)   # [B, D]
    item_embed = jnp.take(item_table, iid_idx, axis=0)   # [B, D]
    seq_embed = jnp.take(item_table, seq_idx, axis=0)    # [B, L, D]
    return (user_embed, item_embed, seq_embed)

if __name__ == "__main__":
    import jax
    _d = setup_inputs()
    print(jax.jit(kernel)(*tuple(_d.values())))

</pallas_src>

<mosaic_0001>
#map = affine_map<(d0, d1) -> (0)>
#map1 = affine_map<(d0, d1) -> (0, 0)>
module attributes {stable_mosaic.version = 14 : i64} {
  func.func @_din_body(%arg0: i32, %arg1: i32, %arg2: memref<4096xi32, #tpu.memory_space<hbm>>, %arg3: memref<4096xi32, #tpu.memory_space<hbm>>, %arg4: memref<819200xi32, #tpu.memory_space<hbm>>, %arg5: memref<1000000x32xf32, #tpu.memory_space<hbm>>, %arg6: memref<1000000x32xf32, #tpu.memory_space<hbm>>, %arg7: memref<4096x32xf32, #tpu.memory_space<hbm>>, %arg8: memref<4096x32xf32, #tpu.memory_space<hbm>>, %arg9: memref<819200x32xf32, #tpu.memory_space<hbm>>, %arg10: memref<128xi32, #tpu.memory_space<vmem>>, %arg11: memref<128x32xf32, #tpu.memory_space<vmem>>, %arg12: memref<128xi32, #tpu.memory_space<vmem>>, %arg13: memref<128x32xf32, #tpu.memory_space<vmem>>, %arg14: memref<1600xi32, #tpu.memory_space<vmem>>, %arg15: memref<1600xi32, #tpu.memory_space<vmem>>, %arg16: memref<1600x32xf32, #tpu.memory_space<vmem>>, %arg17: memref<1600x32xf32, #tpu.memory_space<vmem>>, %arg18: memref<!tpu.dma_semaphore, #tpu.memory_space<semaphore_mem>>, %arg19: memref<!tpu.dma_semaphore, #tpu.memory_space<semaphore_mem>>, %arg20: memref<!tpu.dma_semaphore, #tpu.memory_space<semaphore_mem>>, %arg21: memref<!tpu.dma_semaphore, #tpu.memory_space<semaphore_mem>>, %arg22: memref<!tpu.dma_semaphore, #tpu.memory_space<semaphore_mem>>, %arg23: memref<!tpu.dma_semaphore, #tpu.memory_space<semaphore_mem>>) attributes {dimension_semantics = [#tpu.dimension_semantics<core_parallel>, #tpu.dimension_semantics<subcore_parallel>], iteration_bounds = array<i64: 2, 16>, scalar_prefetch = 0 : i64, scratch_operands = 14 : i64, tpu.core_type = #tpu.core_type<sc_vector_subcore>, window_params = [{transform_indices = #map}, {transform_indices = #map}, {transform_indices = #map}, {transform_indices = #map1}, {transform_indices = #map1}, {transform_indices = #map1}, {transform_indices = #map1}, {transform_indices = #map1}]} {
    %mul3A = arith.constant 2 : i32
    %mul3A_0 = arith.muli %arg1, %mul3A : i32
    %add3A = arith.addi %mul3A_0, %arg0 : i32
    %mul3A_1 = arith.constant 128 : i32
    %mul3A_2 = arith.muli %add3A, %mul3A_1 : i32
    %mul3A_3 = arith.constant 25600 : i32
    %mul3A_4 = arith.muli %add3A, %mul3A_3 : i32
    "tpu.region"() ({
      %run_scoped3A = tpu.sem_alloc : memref<!tpu.dma_semaphore, #tpu.memory_space<semaphore_mem>>
      %dma_start3A_60 = tpu.memref_slice %arg2[%mul3A_2] : memref<4096xi32, #tpu.memory_space<hbm>> -> memref<128xi32, #tpu.memory_space<hbm>>
      %dma_start3A_61 = tpu.memref_slice %arg2[%mul3A_2] : memref<4096xi32, #tpu.memory_space<hbm>> -> memref<128xi32, #tpu.memory_space<hbm>>
      tpu.enqueue_dma source(%dma_start3A_61 : memref<128xi32, #tpu.memory_space<hbm>>) target(%arg10 : memref<128xi32, #tpu.memory_space<vmem>>) target_semaphore(%run_scoped3A : memref<!tpu.dma_semaphore, #tpu.memory_space<semaphore_mem>>)
      %dma_wait3A_62 = tpu.memref_slice %arg2[%mul3A_2] : memref<4096xi32, #tpu.memory_space<hbm>> -> memref<128xi32, #tpu.memory_space<hbm>>
      %dma_wait3A_63 = tpu.memref_slice %arg2[%mul3A_2] : memref<4096xi32, #tpu.memory_space<hbm>> -> memref<128xi32, #tpu.memory_space<hbm>>
      tpu.wait_dma2 semaphore(%run_scoped3A : memref<!tpu.dma_semaphore, #tpu.memory_space<semaphore_mem>>) src(%dma_wait3A_63 : memref<128xi32, #tpu.memory_space<hbm>>) dst(%arg10 : memref<128xi32, #tpu.memory_space<vmem>>)
      tpu.yield
    }) : () -> ()
    %dma_start3A = arith.constant 0 : i32
    %dma_start3A_5 = arith.constant 0 : i32
    %dma_start3A_6 = tpu.memref_slice %arg5[%dma_start3A, %dma_start3A_5] : memref<1000000x32xf32, #tpu.memory_space<hbm>> -> memref<1000000x32xf32, #tpu.memory_space<hbm>>
    tpu.enqueue_indirect_dma source(%dma_start3A_6 : memref<1000000x32xf32, #tpu.memory_space<hbm>>) target(%arg11 : memref<128x32xf32, #tpu.memory_space<vmem>>) offsets(%arg10 : memref<128xi32, #tpu.memory_space<vmem>>) semaphore(%arg18 : memref<!tpu.dma_semaphore, #tpu.memory_space<semaphore_mem>>)
    "tpu.region"() ({
      %run_scoped3A = tpu.sem_alloc : memref<!tpu.dma_semaphore, #tpu.memory_space<semaphore_mem>>
      %dma_start3A_60 = tpu.memref_slice %arg3[%mul3A_2] : memref<4096xi32, #tpu.memory_space<hbm>> -> memref<128xi32, #tpu.memory_space<hbm>>
      %dma_start3A_61 = tpu.memref_slice %arg3[%mul3A_2] : memref<4096xi32, #tpu.memory_space<hbm>> -> memref<128xi32, #tpu.memory_space<hbm>>
      tpu.enqueue_dma source(%dma_start3A_61 : memref<128xi32, #tpu.memory_space<hbm>>) target(%arg12 : memref<128xi32, #tpu.memory_space<vmem>>) target_semaphore(%run_scoped3A : memref<!tpu.dma_semaphore, #tpu.memory_space<semaphore_mem>>)
      %dma_wait3A_62 = tpu.memref_slice %arg3[%mul3A_2] : memref<4096xi32, #tpu.memory_space<hbm>> -> memref<128xi32, #tpu.memory_space<hbm>>
      %dma_wait3A_63 = tpu.memref_slice %arg3[%mul3A_2] : memref<4096xi32, #tpu.memory_space<hbm>> -> memref<128xi32, #tpu.memory_space<hbm>>
      tpu.wait_dma2 semaphore(%run_scoped3A : memref<!tpu.dma_semaphore, #tpu.memory_space<semaphore_mem>>) src(%dma_wait3A_63 : memref<128xi32, #tpu.memory_space<hbm>>) dst(%arg12 : memref<128xi32, #tpu.memory_space<vmem>>)
      tpu.yield
    }) : () -> ()
    %dma_start3A_7 = arith.constant 0 : i32
    %dma_start3A_8 = arith.constant 0 : i32
    %dma_start3A_9 = tpu.memref_slice %arg6[%dma_start3A_7, %dma_start3A_8] : memref<1000000x32xf32, #tpu.memory_space<hbm>> -> memref<1000000x32xf32, #tpu.memory_space<hbm>>
    tpu.enqueue_indirect_dma source(%dma_start3A_9 : memref<1000000x32xf32, #tpu.memory_space<hbm>>) target(%arg13 : memref<128x32xf32, #tpu.memory_space<vmem>>) offsets(%arg12 : memref<128xi32, #tpu.memory_space<vmem>>) semaphore(%arg19 : memref<!tpu.dma_semaphore, #tpu.memory_space<semaphore_mem>>)
    %add3A_10 = arith.constant 0 : i32
    %add3A_11 = arith.addi %mul3A_4, %add3A_10 : i32
    "tpu.region"() ({
      %run_scoped3A = tpu.sem_alloc : memref<!tpu.dma_semaphore, #tpu.memory_space<semaphore_mem>>
      %dma_start3A_60 = tpu.memref_slice %arg4[%add3A_11] : memref<819200xi32, #tpu.memory_space<hbm>> -> memref<1600xi32, #tpu.memory_space<hbm>>
      %dma_start3A_61 = tpu.memref_slice %arg4[%add3A_11] : memref<819200xi32, #tpu.memory_space<hbm>> -> memref<1600xi32, #tpu.memory_space<hbm>>
      tpu.enqueue_dma source(%dma_start3A_61 : memref<1600xi32, #tpu.memory_space<hbm>>) target(%arg14 : memref<1600xi32, #tpu.memory_space<vmem>>) target_semaphore(%run_scoped3A : memref<!tpu.dma_semaphore, #tpu.memory_space<semaphore_mem>>)
      %dma_wait3A_62 = tpu.memref_slice %arg4[%add3A_11] : memref<819200xi32, #tpu.memory_space<hbm>> -> memref<1600xi32, #tpu.memory_space<hbm>>
      %dma_wait3A_63 = tpu.memref_slice %arg4[%add3A_11] : memref<819200xi32, #tpu.memory_space<hbm>> -> memref<1600xi32, #tpu.memory_space<hbm>>
      tpu.wait_dma2 semaphore(%run_scoped3A : memref<!tpu.dma_semaphore, #tpu.memory_space<semaphore_mem>>) src(%dma_wait3A_63 : memref<1600xi32, #tpu.memory_space<hbm>>) dst(%arg14 : memref<1600xi32, #tpu.memory_space<vmem>>)
      tpu.yield
    }) : () -> ()
    %dma_start3A_12 = arith.constant 0 : i32
    %dma_start3A_13 = arith.constant 0 : i32
    %dma_start3A_14 = tpu.memref_slice %arg6[%dma_start3A_12, %dma_start3A_13] : memref<1000000x32xf32, #tpu.memory_space<hbm>> -> memref<1000000x32xf32, #tpu.memory_space<hbm>>
    tpu.enqueue_indirect_dma source(%dma_start3A_14 : memref<1000000x32xf32, #tpu.memory_space<hbm>>) target(%arg16 : memref<1600x32xf32, #tpu.memory_space<vmem>>) offsets(%arg14 : memref<1600xi32, #tpu.memory_space<vmem>>) semaphore(%arg20 : memref<!tpu.dma_semaphore, #tpu.memory_space<semaphore_mem>>)
    %add3A_15 = arith.constant 1600 : i32
    %add3A_16 = arith.addi %mul3A_4, %add3A_15 : i32
    "tpu.region"() ({
      %run_scoped3A = tpu.sem_alloc : memref<!tpu.dma_semaphore, #tpu.memory_space<semaphore_mem>>
      %dma_start3A_60 = tpu.memref_slice %arg4[%add3A_16] : memref<819200xi32, #tpu.memory_space<hbm>> -> memref<1600xi32, #tpu.memory_space<hbm>>
      %dma_start3A_61 = tpu.memref_slice %arg4[%add3A_16] : memref<819200xi32, #tpu.memory_space<hbm>> -> memref<1600xi32, #tpu.memory_space<hbm>>
      tpu.enqueue_dma source(%dma_start3A_61 : memref<1600xi32, #tpu.memory_space<hbm>>) target(%arg15 : memref<1600xi32, #tpu.memory_space<vmem>>) target_semaphore(%run_scoped3A : memref<!tpu.dma_semaphore, #tpu.memory_space<semaphore_mem>>)
      %dma_wait3A_62 = tpu.memref_slice %arg4[%add3A_16] : memref<819200xi32, #tpu.memory_space<hbm>> -> memref<1600xi32, #tpu.memory_space<hbm>>
      %dma_wait3A_63 = tpu.memref_slice %arg4[%add3A_16] : memref<819200xi32, #tpu.memory_space<hbm>> -> memref<1600xi32, #tpu.memory_space<hbm>>
      tpu.wait_dma2 semaphore(%run_scoped3A : memref<!tpu.dma_semaphore, #tpu.memory_space<semaphore_mem>>) src(%dma_wait3A_63 : memref<1600xi32, #tpu.memory_space<hbm>>) dst(%arg15 : memref<1600xi32, #tpu.memory_space<vmem>>)
      tpu.yield
    }) : () -> ()
    %dma_start3A_17 = arith.constant 0 : i32
    %dma_start3A_18 = arith.constant 0 : i32
    %dma_start3A_19 = tpu.memref_slice %arg6[%dma_start3A_17, %dma_start3A_18] : memref<1000000x32xf32, #tpu.memory_space<hbm>> -> memref<1000000x32xf32, #tpu.memory_space<hbm>>
    tpu.enqueue_indirect_dma source(%dma_start3A_19 : memref<1000000x32xf32, #tpu.memory_space<hbm>>) target(%arg17 : memref<1600x32xf32, #tpu.memory_space<vmem>>) offsets(%arg15 : memref<1600xi32, #tpu.memory_space<vmem>>) semaphore(%arg21 : memref<!tpu.dma_semaphore, #tpu.memory_space<semaphore_mem>>)
    %scan3A = arith.constant 0 : i32
    %scan3A_20 = arith.constant 0 : i32
    %scan3A_21 = arith.constant 7 : i32
    %scan3A_22 = arith.addi %scan3A_20, %scan3A_21 : i32
    %scan3A_23 = arith.constant 1 : i32
    scf.for %scan3A_60 = %scan3A_20 to %scan3A_22 step %scan3A_23  : i32 {
      %mul3A_61 = arith.constant 2 : i32
      %mul3A_62 = arith.muli %mul3A_61, %scan3A_60 : i32
      %add3A_63 = arith.constant 0 : i32
      %add3A_64 = arith.addi %mul3A_62, %add3A_63 : i32
      %dma_wait3A_65 = arith.constant 0 : i32
      %dma_wait3A_66 = arith.constant 0 : i32
      %dma_wait3A_67 = tpu.memref_slice %arg6[%dma_wait3A_65, %dma_wait3A_66] : memref<1000000x32xf32, #tpu.memory_space<hbm>> -> memref<1000000x32xf32, #tpu.memory_space<hbm>>
      tpu.wait_indirect_dma semaphore(%arg20 : memref<!tpu.dma_semaphore, #tpu.memory_space<semaphore_mem>>) src(%dma_wait3A_67 : memref<1000000x32xf32, #tpu.memory_space<hbm>>) dst(%arg16 : memref<1600x32xf32, #tpu.memory_space<vmem>>)
      %mul3A_68 = arith.constant 1600 : i32
      %mul3A_69 = arith.muli %add3A_64, %mul3A_68 : i32
      %add3A_70 = arith.addi %mul3A_4, %mul3A_69 : i32
      %dma_start3A_71 = arith.constant 0 : i32
      %dma_start3A_72 = tpu.memref_slice %arg9[%add3A_70, %dma_start3A_71] : memref<819200x32xf32, #tpu.memory_space<hbm>> -> memref<1600x32xf32, #tpu.memory_space<hbm>>
      %dma_start3A_73 = arith.constant 0 : i32
      %dma_start3A_74 = tpu.memref_slice %arg9[%add3A_70, %dma_start3A_73] : memref<819200x32xf32, #tpu.memory_space<hbm>> -> memref<1600x32xf32, #tpu.memory_space<hbm>>
      tpu.enqueue_dma source(%arg16 : memref<1600x32xf32, #tpu.memory_space<vmem>>) target(%dma_start3A_74 : memref<1600x32xf32, #tpu.memory_space<hbm>>) target_semaphore(%arg22 : memref<!tpu.dma_semaphore, #tpu.memory_space<semaphore_mem>>)
      %dma_wait3A_75 = arith.constant 0 : i32
      %dma_wait3A_76 = tpu.memref_slice %arg9[%add3A_70, %dma_wait3A_75] : memref<819200x32xf32, #tpu.memory_space<hbm>> -> memref<1600x32xf32, #tpu.memory_space<hbm>>
      %dma_wait3A_77 = arith.constant 0 : i32
      %dma_wait3A_78 = tpu.memref_slice %arg9[%add3A_70, %dma_wait3A_77] : memref<819200x32xf32, #tpu.memory_space<hbm>> -> memref<1600x32xf32, #tpu.memory_space<hbm>>
      tpu.wait_dma2 semaphore(%arg22 : memref<!tpu.dma_semaphore, #tpu.memory_space<semaphore_mem>>) src(%arg16 : memref<1600x32xf32, #tpu.memory_space<vmem>>) dst(%dma_wait3A_78 : memref<1600x32xf32, #tpu.memory_space<hbm>>)
      %add3A_79 = arith.constant 2 : i32
      %add3A_80 = arith.addi %add3A_64, %add3A_79 : i32
      %mul3A_81 = arith.constant 1600 : i32
      %mul3A_82 = arith.muli %add3A_80, %mul3A_81 : i32
      %add3A_83 = arith.addi %mul3A_4, %mul3A_82 : i32
      "tpu.region"() ({
        %run_scoped3A = tpu.sem_alloc : memref<!tpu.dma_semaphore, #tpu.memory_space<semaphore_mem>>
        %dma_start3A_113 = tpu.memref_slice %arg4[%add3A_83] : memref<819200xi32, #tpu.memory_space<hbm>> -> memref<1600xi32, #tpu.memory_space<hbm>>
        %dma_start3A_114 = tpu.memref_slice %arg4[%add3A_83] : memref<819200xi32, #tpu.memory_space<hbm>> -> memref<1600xi32, #tpu.memory_space<hbm>>
        tpu.enqueue_dma source(%dma_start3A_114 : memref<1600xi32, #tpu.memory_space<hbm>>) target(%arg14 : memref<1600xi32, #tpu.memory_space<vmem>>) target_semaphore(%run_scoped3A : memref<!tpu.dma_semaphore, #tpu.memory_space<semaphore_mem>>)
        %dma_wait3A_115 = tpu.memref_slice %arg4[%add3A_83] : memref<819200xi32, #tpu.memory_space<hbm>> -> memref<1600xi32, #tpu.memory_space<hbm>>
        %dma_wait3A_116 = tpu.memref_slice %arg4[%add3A_83] : memref<819200xi32, #tpu.memory_space<hbm>> -> memref<1600xi32, #tpu.memory_space<hbm>>
        tpu.wait_dma2 semaphore(%run_scoped3A : memref<!tpu.dma_semaphore, #tpu.memory_space<semaphore_mem>>) src(%dma_wait3A_116 : memref<1600xi32, #tpu.memory_space<hbm>>) dst(%arg14 : memref<1600xi32, #tpu.memory_space<vmem>>)
        tpu.yield
      }) : () -> ()
      %dma_start3A_84 = arith.constant 0 : i32
      %dma_start3A_85 = arith.constant 0 : i32
      %dma_start3A_86 = tpu.memref_slice %arg6[%dma_start3A_84, %dma_start3A_85] : memref<1000000x32xf32, #tpu.memory_space<hbm>> -> memref<1000000x32xf32, #tpu.memory_space<hbm>>
      tpu.enqueue_indirect_dma source(%dma_start3A_86 : memref<1000000x32xf32, #tpu.memory_space<hbm>>) target(%arg16 : memref<1600x32xf32, #tpu.memory_space<vmem>>) offsets(%arg14 : memref<1600xi32, #tpu.memory_space<vmem>>) semaphore(%arg20 : memref<!tpu.dma_semaphore, #tpu.memory_space<semaphore_mem>>)
      %mul3A_87 = arith.constant 2 : i32
      %mul3A_88 = arith.muli %mul3A_87, %scan3A_60 : i32
      %add3A_89 = arith.constant 1 : i32
      %add3A_90 = arith.addi %mul3A_88, %add3A_89 : i32
      %dma_wait3A_91 = arith.constant 0 : i32
      %dma_wait3A_92 = arith.constant 0 : i32
      %dma_wait3A_93 = tpu.memref_slice %arg6[%dma_wait3A_91, %dma_wait3A_92] : memref<1000000x32xf32, #tpu.memory_space<hbm>> -> memref<1000000x32xf32, #tpu.memory_space<hbm>>
      tpu.wait_indirect_dma semaphore(%arg21 : memref<!tpu.dma_semaphore, #tpu.memory_space<semaphore_mem>>) src(%dma_wait3A_93 : memref<1000000x32xf32, #tpu.memory_space<hbm>>) dst(%arg17 : memref<1600x32xf32, #tpu.memory_space<vmem>>)
      %mul3A_94 = arith.constant 1600 : i32
      %mul3A_95 = arith.muli %add3A_90, %mul3A_94 : i32
      %add3A_96 = arith.addi %mul3A_4, %mul3A_95 : i32
      %dma_start3A_97 = arith.constant 0 : i32
      %dma_start3A_98 = tpu.memref_slice %arg9[%add3A_96, %dma_start3A_97] : memref<819200x32xf32, #tpu.memory_space<hbm>> -> memref<1600x32xf32, #tpu.memory_space<hbm>>
      %dma_start3A_99 = arith.constant 0 : i32
      %dma_start3A_100 = tpu.memref_slice %arg9[%add3A_96, %dma_start3A_99] : memref<819200x32xf32, #tpu.memory_space<hbm>> -> memref<1600x32xf32, #tpu.memory_space<hbm>>
      tpu.enqueue_dma source(%arg17 : memref<1600x32xf32, #tpu.memory_space<vmem>>) target(%dma_start3A_100 : memref<1600x32xf32, #tpu.memory_space<hbm>>) target_semaphore(%arg23 : memref<!tpu.dma_semaphore, #tpu.memory_space<semaphore_mem>>)
      %dma_wait3A_101 = arith.constant 0 : i32
      %dma_wait3A_102 = tpu.memref_slice %arg9[%add3A_96, %dma_wait3A_101] : memref<819200x32xf32, #tpu.memory_space<hbm>> -> memref<1600x32xf32, #tpu.memory_space<hbm>>
      %dma_wait3A_103 = arith.constant 0 : i32
      %dma_wait3A_104 = tpu.memref_slice %arg9[%add3A_96, %dma_wait3A_103] : memref<819200x32xf32, #tpu.memory_space<hbm>> -> memref<1600x32xf32, #tpu.memory_space<hbm>>
      tpu.wait_dma2 semaphore(%arg23 : memref<!tpu.dma_semaphore, #tpu.memory_space<semaphore_mem>>) src(%arg17 : memref<1600x32xf32, #tpu.memory_space<vmem>>) dst(%dma_wait3A_104 : memref<1600x32xf32, #tpu.memory_space<hbm>>)
      %add3A_105 = arith.constant 2 : i32
      %add3A_106 = arith.addi %add3A_90, %add3A_105 : i32
      %mul3A_107 = arith.constant 1600 : i32
      %mul3A_108 = arith.muli %add3A_106, %mul3A_107 : i32
      %add3A_109 = arith.addi %mul3A_4, %mul3A_108 : i32
      "tpu.region"() ({
        %run_scoped3A = tpu.sem_alloc : memref<!tpu.dma_semaphore, #tpu.memory_space<semaphore_mem>>
        %dma_start3A_113 = tpu.memref_slice %arg4[%add3A_109] : memref<819200xi32, #tpu.memory_space<hbm>> -> memref<1600xi32, #tpu.memory_space<hbm>>
        %dma_start3A_114 = tpu.memref_slice %arg4[%add3A_109] : memref<819200xi32, #tpu.memory_space<hbm>> -> memref<1600xi32, #tpu.memory_space<hbm>>
        tpu.enqueue_dma source(%dma_start3A_114 : memref<1600xi32, #tpu.memory_space<hbm>>) target(%arg15 : memref<1600xi32, #tpu.memory_space<vmem>>) target_semaphore(%run_scoped3A : memref<!tpu.dma_semaphore, #tpu.memory_space<semaphore_mem>>)
        %dma_wait3A_115 = tpu.memref_slice %arg4[%add3A_109] : memref<819200xi32, #tpu.memory_space<hbm>> -> memref<1600xi32, #tpu.memory_space<hbm>>
        %dma_wait3A_116 = tpu.memref_slice %arg4[%add3A_109] : memref<819200xi32, #tpu.memory_space<hbm>> -> memref<1600xi32, #tpu.memory_space<hbm>>
        tpu.wait_dma2 semaphore(%run_scoped3A : memref<!tpu.dma_semaphore, #tpu.memory_space<semaphore_mem>>) src(%dma_wait3A_116 : memref<1600xi32, #tpu.memory_space<hbm>>) dst(%arg15 : memref<1600xi32, #tpu.memory_space<vmem>>)
        tpu.yield
      }) : () -> ()
      %dma_start3A_110 = arith.constant 0 : i32
      %dma_start3A_111 = arith.constant 0 : i32
      %dma_start3A_112 = tpu.memref_slice %arg6[%dma_start3A_110, %dma_start3A_111] : memref<1000000x32xf32, #tpu.memory_space<hbm>> -> memref<1000000x32xf32, #tpu.memory_space<hbm>>
      tpu.enqueue_indirect_dma source(%dma_start3A_112 : memref<1000000x32xf32, #tpu.memory_space<hbm>>) target(%arg17 : memref<1600x32xf32, #tpu.memory_space<vmem>>) offsets(%arg15 : memref<1600xi32, #tpu.memory_space<vmem>>) semaphore(%arg21 : memref<!tpu.dma_semaphore, #tpu.memory_space<semaphore_mem>>)
    }
    %scan3A_24 = arith.constant 7 : i32
    %dma_wait3A = arith.constant 0 : i32
    %dma_wait3A_25 = arith.constant 0 : i32
    %dma_wait3A_26 = tpu.memref_slice %arg6[%dma_wait3A, %dma_wait3A_25] : memref<1000000x32xf32, #tpu.memory_space<hbm>> -> memref<1000000x32xf32, #tpu.memory_space<hbm>>
    tpu.wait_indirect_dma semaphore(%arg20 : memref<!tpu.dma_semaphore, #tpu.memory_space<semaphore_mem>>) src(%dma_wait3A_26 : memref<1000000x32xf32, #tpu.memory_space<hbm>>) dst(%arg16 : memref<1600x32xf32, #tpu.memory_space<vmem>>)
    %add3A_27 = arith.constant 22400 : i32
    %add3A_28 = arith.addi %mul3A_4, %add3A_27 : i32
    %dma_start3A_29 = arith.constant 0 : i32
    %dma_start3A_30 = tpu.memref_slice %arg9[%add3A_28, %dma_start3A_29] : memref<819200x32xf32, #tpu.memory_space<hbm>> -> memref<1600x32xf32, #tpu.memory_space<hbm>>
    %dma_start3A_31 = arith.constant 0 : i32
    %dma_start3A_32 = tpu.memref_slice %arg9[%add3A_28, %dma_start3A_31] : memref<819200x32xf32, #tpu.memory_space<hbm>> -> memref<1600x32xf32, #tpu.memory_space<hbm>>
    tpu.enqueue_dma source(%arg16 : memref<1600x32xf32, #tpu.memory_space<vmem>>) target(%dma_start3A_32 : memref<1600x32xf32, #tpu.memory_space<hbm>>) target_semaphore(%arg22 : memref<!tpu.dma_semaphore, #tpu.memory_space<semaphore_mem>>)
    %dma_wait3A_33 = arith.constant 0 : i32
    %dma_wait3A_34 = arith.constant 0 : i32
    %dma_wait3A_35 = tpu.memref_slice %arg6[%dma_wait3A_33, %dma_wait3A_34] : memref<1000000x32xf32, #tpu.memory_space<hbm>> -> memref<1000000x32xf32, #tpu.memory_space<hbm>>
    tpu.wait_indirect_dma semaphore(%arg21 : memref<!tpu.dma_semaphore, #tpu.memory_space<semaphore_mem>>) src(%dma_wait3A_35 : memref<1000000x32xf32, #tpu.memory_space<hbm>>) dst(%arg17 : memref<1600x32xf32, #tpu.memory_space<vmem>>)
    %add3A_36 = arith.constant 24000 : i32
    %add3A_37 = arith.addi %mul3A_4, %add3A_36 : i32
    %dma_start3A_38 = arith.constant 0 : i32
    %dma_start3A_39 = tpu.memref_slice %arg9[%add3A_37, %dma_start3A_38] : memref<819200x32xf32, #tpu.memory_space<hbm>> -> memref<1600x32xf32, #tpu.memory_space<hbm>>
    %dma_start3A_40 = arith.constant 0 : i32
    %dma_start3A_41 = tpu.memref_slice %arg9[%add3A_37, %dma_start3A_40] : memref<819200x32xf32, #tpu.memory_space<hbm>> -> memref<1600x32xf32, #tpu.memory_space<hbm>>
    tpu.enqueue_dma source(%arg17 : memref<1600x32xf32, #tpu.memory_space<vmem>>) target(%dma_start3A_41 : memref<1600x32xf32, #tpu.memory_space<hbm>>) target_semaphore(%arg23 : memref<!tpu.dma_semaphore, #tpu.memory_space<semaphore_mem>>)
    %add3A_42 = arith.constant 22400 : i32
    %add3A_43 = arith.addi %mul3A_4, %add3A_42 : i32
    %dma_wait3A_44 = arith.constant 0 : i32
    %dma_wait3A_45 = tpu.memref_slice %arg9[%add3A_43, %dma_wait3A_44] : memref<819200x32xf32, #tpu.memory_space<hbm>> -> memref<1600x32xf32, #tpu.memory_space<hbm>>
    %dma_wait3A_46 = arith.constant 0 : i32
    %dma_wait3A_47 = tpu.memref_slice %arg9[%add3A_43, %dma_wait3A_46] : memref<819200x32xf32, #tpu.memory_space<hbm>> -> memref<1600x32xf32, #tpu.memory_space<hbm>>
    tpu.wait_dma2 semaphore(%arg22 : memref<!tpu.dma_semaphore, #tpu.memory_space<semaphore_mem>>) src(%arg16 : memref<1600x32xf32, #tpu.memory_space<vmem>>) dst(%dma_wait3A_47 : memref<1600x32xf32, #tpu.memory_space<hbm>>)
    %add3A_48 = arith.constant 24000 : i32
    %add3A_49 = arith.addi %mul3A_4, %add3A_48 : i32
    %dma_wait3A_50 = arith.constant 0 : i32
    %dma_wait3A_51 = tpu.memref_slice %arg9[%add3A_49, %dma_wait3A_50] : memref<819200x32xf32, #tpu.memory_space<hbm>> -> memref<1600x32xf32, #tpu.memory_space<hbm>>
    %dma_wait3A_52 = arith.constant 0 : i32
    %dma_wait3A_53 = tpu.memref_slice %arg9[%add3A_49, %dma_wait3A_52] : memref<819200x32xf32, #tpu.memory_space<hbm>> -> memref<1600x32xf32, #tpu.memory_space<hbm>>
    tpu.wait_dma2 semaphore(%arg23 : memref<!tpu.dma_semaphore, #tpu.memory_space<semaphore_mem>>) src(%arg17 : memref<1600x32xf32, #tpu.memory_space<vmem>>) dst(%dma_wait3A_53 : memref<1600x32xf32, #tpu.memory_space<hbm>>)
    %dma_wait3A_54 = arith.constant 0 : i32
    %dma_wait3A_55 = arith.constant 0 : i32
    %dma_wait3A_56 = tpu.memref_slice %arg5[%dma_wait3A_54, %dma_wait3A_55] : memref<1000000x32xf32, #tpu.memory_space<hbm>> -> memref<1000000x32xf32, #tpu.memory_space<hbm>>
    tpu.wait_indirect_dma semaphore(%arg18 : memref<!tpu.dma_semaphore, #tpu.memory_space<semaphore_mem>>) src(%dma_wait3A_56 : memref<1000000x32xf32, #tpu.memory_space<hbm>>) dst(%arg11 : memref<128x32xf32, #tpu.memory_space<vmem>>)
    "tpu.region"() ({
      %run_scoped3A = tpu.sem_alloc : memref<!tpu.dma_semaphore, #tpu.memory_space<semaphore_mem>>
      %dma_start3A_60 = arith.constant 0 : i32
      %dma_start3A_61 = tpu.memref_slice %arg7[%mul3A_2, %dma_start3A_60] : memref<4096x32xf32, #tpu.memory_space<hbm>> -> memref<128x32xf32, #tpu.memory_space<hbm>>
      %dma_start3A_62 = arith.constant 0 : i32
      %dma_start3A_63 = tpu.memref_slice %arg7[%mul3A_2, %dma_start3A_62] : memref<4096x32xf32, #tpu.memory_space<hbm>> -> memref<128x32xf32, #tpu.memory_space<hbm>>
      tpu.enqueue_dma source(%arg11 : memref<128x32xf32, #tpu.memory_space<vmem>>) target(%dma_start3A_63 : memref<128x32xf32, #tpu.memory_space<hbm>>) target_semaphore(%run_scoped3A : memref<!tpu.dma_semaphore, #tpu.memory_space<semaphore_mem>>)
      %dma_wait3A_64 = arith.constant 0 : i32
      %dma_wait3A_65 = tpu.memref_slice %arg7[%mul3A_2, %dma_wait3A_64] : memref<4096x32xf32, #tpu.memory_space<hbm>> -> memref<128x32xf32, #tpu.memory_space<hbm>>
      %dma_wait3A_66 = arith.constant 0 : i32
      %dma_wait3A_67 = tpu.memref_slice %arg7[%mul3A_2, %dma_wait3A_66] : memref<4096x32xf32, #tpu.memory_space<hbm>> -> memref<128x32xf32, #tpu.memory_space<hbm>>
      tpu.wait_dma2 semaphore(%run_scoped3A : memref<!tpu.dma_semaphore, #tpu.memory_space<semaphore_mem>>) src(%arg11 : memref<128x32xf32, #tpu.memory_space<vmem>>) dst(%dma_wait3A_67 : memref<128x32xf32, #tpu.memory_space<hbm>>)
      tpu.yield
    }) : () -> ()
    %dma_wait3A_57 = arith.constant 0 : i32
    %dma_wait3A_58 = arith.constant 0 : i32
    %dma_wait3A_59 = tpu.memref_slice %arg6[%dma_wait3A_57, %dma_wait3A_58] : memref<1000000x32xf32, #tpu.memory_space<hbm>> -> memref<1000000x32xf32, #tpu.memory_space<hbm>>
    tpu.wait_indirect_dma semaphore(%arg19 : memref<!tpu.dma_semaphore, #tpu.memory_space<semaphore_mem>>) src(%dma_wait3A_59 : memref<1000000x32xf32, #tpu.memory_space<hbm>>) dst(%arg13 : memref<128x32xf32, #tpu.memory_space<vmem>>)
    "tpu.region"() ({
      %run_scoped3A = tpu.sem_alloc : memref<!tpu.dma_semaphore, #tpu.memory_space<semaphore_mem>>
      %dma_start3A_60 = arith.constant 0 : i32
      %dma_start3A_61 = tpu.memref_slice %arg8[%mul3A_2, %dma_start3A_60] : memref<4096x32xf32, #tpu.memory_space<hbm>> -> memref<128x32xf32, #tpu.memory_space<hbm>>
      %dma_start3A_62 = arith.constant 0 : i32
      %dma_start3A_63 = tpu.memref_slice %arg8[%mul3A_2, %dma_start3A_62] : memref<4096x32xf32, #tpu.memory_space<hbm>> -> memref<128x32xf32, #tpu.memory_space<hbm>>
      tpu.enqueue_dma source(%arg13 : memref<128x32xf32, #tpu.memory_space<vmem>>) target(%dma_start3A_63 : memref<128x32xf32, #tpu.memory_space<hbm>>) target_semaphore(%run_scoped3A : memref<!tpu.dma_semaphore, #tpu.memory_space<semaphore_mem>>)
      %dma_wait3A_64 = arith.constant 0 : i32
      %dma_wait3A_65 = tpu.memref_slice %arg8[%mul3A_2, %dma_wait3A_64] : memref<4096x32xf32, #tpu.memory_space<hbm>> -> memref<128x32xf32, #tpu.memory_space<hbm>>
      %dma_wait3A_66 = arith.constant 0 : i32
      %dma_wait3A_67 = tpu.memref_slice %arg8[%mul3A_2, %dma_wait3A_66] : memref<4096x32xf32, #tpu.memory_space<hbm>> -> memref<128x32xf32, #tpu.memory_space<hbm>>
      tpu.wait_dma2 semaphore(%run_scoped3A : memref<!tpu.dma_semaphore, #tpu.memory_space<semaphore_mem>>) src(%arg13 : memref<128x32xf32, #tpu.memory_space<vmem>>) dst(%dma_wait3A_67 : memref<128x32xf32, #tpu.memory_space<hbm>>)
      tpu.yield
    }) : () -> ()
    return
  }
}

</mosaic_0001>

<sc_bundles>
// kernel: _din_sc.3.cloned.1.call-start
scs
__scs_entry_jumppad:
0x0: {  	(pc) =	sbr.rel $0x88, $3  }
0x1: {  	(tag) =	ssettag $0x0;
	lr =	simm.s32 $0x1  }
0x2: {  	[smem:$0x3F9C] =	sst lr;
	_ =	strace $0xD0000000  }
0x3: {  	_ = 	snop  }
0x4: {  	_ = 	snop  }
0x5: {  	_ = 	snop  }
0x6: {  	_ = 	snop  }
0x7: {  	_ = 	snop  }
__scs_overlays_trampoline_lowered:
0x8: {  	[smem:$0x3FAB] =	sst s0  }
0x9: {  	[smem:$0x3FAC] =	sst s1  }
0xa: {  	[smem:$0x3FAD] =	sst s2  }
0xb: {  	[smem:$0x3FAE] =	sst s3  }
0xc: {  	[smem:$0x3FAF] =	sst s4  }
0xd: {  	[smem:$0x3FB0] =	sst s5  }
0xe: {  	[smem:$0x3FB1] =	sst s6  }
0xf: {  	[smem:$0x3FB2] =	sst s7  }
0x10: {  	[smem:$0x3FB3] =	sst s8  }
0x11: {  	[smem:$0x3FB4] =	sst s9;
	s0 =	simm.s32 @!p0 $0x0  }
0x12: {  	s1 =	sld [smem:$0x3F9A];
	s0 =	simm.s32 @p0 $0x1  }
0x13: {  	[smem:$0x3FB5] =	sst s0;
	s0 =	simm.s32 @!p1 $0x0  }
0x14: {  	s2 =	sld [smem:$0x3F99];
	s0 =	simm.s32 @p1 $0x1  }
0x15: {  	[smem:$0x3FB6] =	sst s0;
	s0 =	simm.s32 @!p2 $0x0  }
0x16: {  	s3 =	sld [smem:$0x3FDB];
	s0 =	simm.s32 @p2 $0x1  }
0x17: {  	s4 =	simm.s32 $0x1BF5;
	[smem:$0x3FB8] =	sst s0  }
0x18: {  	s0 =	sld [smem:$0x3F9B];
	_ =	swait.ge [sflag:s4], $0x0  }
0x19: {  	s7 =	sld [smem:$0x3F9C]  }
0x1a: {  	s8 =	sadd.s32 $0xFFFFE003, lr  }
0x1b: {  	s9 =	sadd.s32 $0xFFFFFEF7, lr;
	s5 =	simm.s32 $0xFFFFFFFF;
	p2 =	slt.u32 s8, $0xFFFFF086  }
0x1c: {  	p1 =	slt.u32 s9, $0xF7A;
	s5 =	simm.s32 @!p2 $0x0  }
0x1d: {  	s5 =	simm.s32 @p1 $0x1;
	p0 =	seq.s32 s7, s2  }
0x1e: {  	s7 =	smul.u32 @!p0 $0xF7A, s2;
	p2 =	seq.s32 @!p0 s5, $0x0  }
0x1f: {  	s9 =	smul.u32 $0xF7A, s1;
	s8 =	simm.s32 @!p0 $0x1BF5;
	p2 =	por !p2, p0  }
0x20: {  	[sflag:s8] =	ssyncset.s32 @!p0 $0xFFFFF086;
	s6 =	sadd.s32 @!p0 s3, s7;
	s7 =	simm.s32 @!p0 $0x108  }
0x21: {  	s3 =	sadd.s32 s3, s9;
	s6 =	sadd.s32 @!p0 $0x88, s6;
	s7 =	simm.s32 @p2 $0x1082  }
0x22: {  	[simem:s7], [sflag:s8] =	dma.local @!p0 [hbm:s6], $0xF7A  }
0x23: {  	s9 =	sor.u32 $0xD0000000, s2;
	s6 =	simm.s32 $0x108;
	_ =	swait.ge @!p0 [sflag:s8], $0x0  }
0x24: {  	s3 =	sadd.s32 $0x88, s3;
	s6 =	simm.s32 @!p1 $0x1082;
	[sflag:s4] =	ssyncset.s32 $0xFFFFF086  }
0x25: {  	[simem:s6], [sflag:s4] =	dma.local [hbm:s3], $0xF7A  }
0x26: {  	[smem:$0x3F9C] =	sst s1;
	(tag) =	ssettag s2;
	_ =	strace s9  }
0x27: {  	s1 =	sld [smem:$0x3FAC]  }
0x28: {  	s2 =	sld [smem:$0x3FAD]  }
0x29: {  	s4 =	sld [smem:$0x3FAF]  }
0x2a: {  	p0 =	seq.s32 s5, $0x0;
	s5 =	sld [smem:$0x3FB0]  }
0x2b: {  	s6 =	sld [smem:$0x3FB1]  }
0x2c: {  	s7 =	sld [smem:$0x3FB2]  }
0x2d: {  	s3 =	simm.s32 $0x108;
	s8 =	sld [smem:$0x3FB3]  }
0x2e: {  	s3 =	simm.s32 @!p0 $0x1082;
	s9 =	sld [smem:$0x3FB4]  }
0x2f: {  	lr =	sadd.s32 s0, s3;
	s0 =	sld [smem:$0x3FAB]  }
0x30: {  	s3 =	sld [smem:$0x3FAE]  }
0x31: {  	[smem:$0x3FB7] =	sst s10  }
0x32: {  	s10 =	sld [smem:$0x3FB5];
	_ =	sdelay $0x3  }
0x33: {  	p0 =	seq.s32 s10, $0x1;
	s10 =	sld [smem:$0x3FB7];
	_ =	sdelay $0x3  }
0x34: {  	[smem:$0x3FB7] =	sst s10  }
0x35: {  	s10 =	sld [smem:$0x3FB6];
	_ =	sdelay $0x3  }
0x36: {  	p1 =	seq.s32 s10, $0x1;
	s10 =	sld [smem:$0x3FB7];
	_ =	sdelay $0x3  }
0x37: {  	[smem:$0x3FB7] =	sst s10  }
0x38: {  	s10 =	sld [smem:$0x3FB8]  }
0x39: {  	_ = 	snop;
	(pc) =	sbr.ind lr, $3  }
0x3a: {  	_ = 	snop  }
0x3b: {  	_ = 	snop  }
0x3c: {  	p2 =	seq.s32 s10, $0x1;
	s10 =	sld [smem:$0x3FB7]  }
0x3d: {  	_ =	shalt  }
0x3e: {  	_ =	shalt  }
0x3f: {  	_ =	shalt  }
0x40: {  	_ =	shalt  }
0x41: {  	_ =	shalt  }
0x42: {  	_ =	shalt  }
0x43: {  	_ =	shalt  }
0x44: {  	_ =	shalt  }
0x45: {  	_ =	shalt  }
0x46: {  	_ =	shalt  }
0x47: {  	_ =	shalt  }
0x48: {  	_ =	shalt  }
0x49: {  	_ =	shalt  }
0x4a: {  	_ =	shalt  }
0x4b: {  	_ =	shalt  }
0x4c: {  	_ =	shalt  }
0x4d: {  	_ =	shalt  }
0x4e: {  	_ =	shalt  }
0x4f: {  	_ =	shalt  }
0x50: {  	_ =	shalt  }
0x51: {  	_ =	shalt  }
0x52: {  	_ =	shalt  }
0x53: {  	_ =	shalt  }
0x54: {  	_ =	shalt  }
0x55: {  	_ =	shalt  }
0x56: {  	_ =	shalt  }
0x57: {  	_ =	shalt  }
0x58: {  	_ =	shalt  }
0x59: {  	_ =	shalt  }
0x5a: {  	_ =	shalt  }
0x5b: {  	_ =	shalt  }
0x5c: {  	_ =	shalt  }
0x5d: {  	_ =	shalt  }
0x5e: {  	_ =	shalt  }
0x5f: {  	_ =	shalt  }
0x60: {  	_ =	shalt  }
0x61: {  	_ =	shalt  }
0x62: {  	_ =	shalt  }
0x63: {  	_ =	shalt  }
0x64: {  	_ =	shalt  }
0x65: {  	_ =	shalt  }
0x66: {  	_ =	shalt  }
0x67: {  	_ =	shalt  }
0x68: {  	_ =	shalt  }
0x69: {  	_ =	shalt  }
0x6a: {  	_ =	shalt  }
0x6b: {  	_ =	shalt  }
0x6c: {  	_ =	shalt  }
0x6d: {  	_ =	shalt  }
0x6e: {  	_ =	shalt  }
0x6f: {  	_ =	shalt  }
0x70: {  	_ =	shalt  }
0x71: {  	_ =	shalt  }
0x72: {  	_ =	shalt  }
0x73: {  	_ =	shalt  }
0x74: {  	_ =	shalt  }
0x75: {  	_ =	shalt  }
0x76: {  	_ =	shalt  }
0x77: {  	_ =	shalt  }
0x78: {  	_ =	shalt  }
0x79: {  	_ =	shalt  }
0x7a: {  	_ =	shalt  }
0x7b: {  	_ =	shalt  }
0x7c: {  	_ =	shalt  }
0x7d: {  	_ =	shalt  }
0x7e: {  	_ =	shalt  }
0x7f: {  	_ =	shalt  }
0x80: {  	_ =	shalt  }
0x81: {  	_ =	shalt  }
0x82: {  	_ =	shalt  }
0x83: {  	_ =	shalt  }
0x84: {  	_ =	shalt  }
0x85: {  	_ =	shalt  }
0x86: {  	_ =	shalt  }
0x87: {  	_ =	shalt  }
.Lfunc_end0:
.L_simem_size_0:
called_computation.1_lowered:
.L_overlay_start_0:
0x88: {  	s2 =	sld [smem:$0x3FD9]  }
0x89: {  	s3 =	sld [smem:$0x3FFE];
	_ =	sdelay $0x1  }
0x8a: {  	s1 =	srdreg.scid  }
0x8b: {  	s0 =	sand.u32 $0x1, s1  }
0x8c: {  	s14 =	sshll.u32 s0, $0xA;
	s2 =	sadd.s32 s3, s2  }
0x8d: {  	s2 =	sadd.s32 s2, s14  }
0x8e: {  	[smem:$0x3FC3] =	sst s2  }
0x8f: {  	_ = 	snop  }
0x90: {  	s2 =	sld [smem:$0x3FD0]  }
0x91: {  	s15 =	sld [smem:$0x3FC9]  }
0x92: {  	s4 =	sld [smem:$0x3FC8]  }
0x93: {  	s6 =	simm.s32 $0xA;
	s7 =	simm.s32 $0x10;
	s5 =	sld [smem:$0x3FC7]  }
0x94: {  	[smem:s7], [sflag:s6] =	dma.local [hbm:s2], $0x1  }
0x95: {  	_ =	swait.eq [sflag:s6], $0x1  }
0x96: {  	s16 =	sld [smem:$0x10];
	[sflag:s6] =	ssyncset.done $0x0  }
0x97: {  	s17 =	sld [smem:$0x11];
	[sflag:s6] =	ssyncadd.s32 $0xFFFFFFFF  }
0x98: {  	s18 =	sld [smem:$0x12];
	(tm) =	ssettm $0x1  }
0x99: {  	s8 =	sld [smem:$0x3FFB];
	_ =	sdelay $0x3  }
0x9a: {  	_ =	strace s8  }
0x9b: {  	s8 =	sld [smem:$0x3FFC];
	_ =	sdelay $0x3  }
0x9c: {  	_ =	strace s8  }
0x9d: {  	s8 =	sld [smem:$0x3FFD];
	_ =	sdelay $0x3  }
0x9e: {  	_ =	strace s8  }
0x9f: {  	_ =	strace $0x8FFFFFFF  }
0xa0: {  	s19 =	sld [smem:$0x3FDB];
	_ =	sdelay $0x1  }
0xa1: {  	s9 =	simm.s32 $_scs_section_size  }
0xa2: {  	s10 =	simm.s32 $_size__tile_overlayer_lowered;
	s11 =	simm.s32 $_tile_overlayer_lowered  }
0xa3: {  	s22 =	simm.s32 $0x1BFF;
	s21 =	sshll.u32 s11, $0x1;
	s8 =	sadd.s32 s9, s19  }
0xa4: {  	s12 =	simm.s32 $0x0;
	s20 =	sshll.u32 s10, $0x1;
	s10 =	sadd.s32 s21, s8  }
0xa5: {  	[timem:s12], [sflag:s22] =	dma.local [hbm:s10], s20  }
0xa6: {  	_ =	swait.ge [sflag:s22], s20  }
0xa7: {  	s9 =	ssub.s32 $0x0, s20;
	[sflag:s22] =	ssyncset.done $0x0  }
0xa8: {  	[sflag:s22] =	ssyncadd.s32 s9;
	_ =	sdelay $0x1  }
0xa9: {  	s23 =	simm.s32 $0x1B8B  }
0xaa: {  	_ =	swait.ge [sflag:s23], $0x1  }
0xab: {  	[sflag:s23] =	ssyncset.done $0x0  }
0xac: {  	s25 =	simm.s32 $0x1B8E;
	s24 =	sld [smem:$0x3FFE];
	[sflag:s23] =	ssyncadd.s32 $0xFFFFFFFF  }
0xad: {  	s26 =	simm.s32 $execute0_lowered;
	[smem:$0x3FD2] =	sst s25  }
0xae: {  	s10 =	sshll.u32 s26, $0x1;
	_ =	strace $0x80000046;
	[dreg:$0x1] =	wrdreg $0xFFFFFFFF  }
0xaf: {  	s28 =	simm.s32 $_size_execute0_lowered;
	s8 =	sadd.s32 s8, s10;
	[dreg:$0x0] =	wrdreg $0x0  }
0xb0: {  	s10 =	sshll.u32 s28, $0x1;
	[dreg:$0x2] =	wrdreg s8  }
0xb1: {  	[dreg:$0x3] =	wrdreg s10  }
0xb2: {  	[dreg:$0x4] =	wrdreg $0xC0  }
0xb3: {  	_ =	task [dreg:s12], $0x5FFFF  }
0xb4: {  	[dreg:$0x1] =	wrdreg $0xFFFFFFFF  }
0xb5: {  	[dreg:$0x0] =	wrdreg $0x60  }
0xb6: {  	[dreg:$0x2] =	wrdreg s15  }
0xb7: {  	[dreg:$0x3] =	wrdreg s4  }
0xb8: {  	[dreg:$0x4] =	wrdreg s5  }
0xb9: {  	[dreg:$0x5] =	wrdreg s24  }
0xba: {  	[dreg:$0x6] =	wrdreg s16  }
0xbb: {  	[dreg:$0x7] =	wrdreg s17  }
0xbc: {  	[dreg:$0x8] =	wrdreg s18  }
0xbd: {  	[dreg:$0x9] =	wrdreg $0x9  }
0xbe: {  	_ =	task.clear_ibuf [dreg:s12], $0xAFFFF;
	_ =	strace $0x90000046  }
0xbf: {  	s29 =	simm.s32 $0x9;
	_ =	strace $0x80000048  }
0xc0: {  	_ =	swait.ge [sflag:s29], $0x1  }
0xc1: {  	[sflag:s29] =	ssyncadd.s32 $0xFFFFFFFF  }
0xc2: {  	_ =	strace $0x90000048  }
0xc3: {  	_ =	sfence  }
0xc4: {  	s30 =	sld [smem:$0x0];
	_ =	sdelay $0x2  }
0xc5: {  	s31 =	sshll.u32 s1, $0xD;
	s1 =	sshrl.u32 s1, $0x2  }
0xc6: {  	s3 =	sand.u32 $0x4000, s31;
	s1 =	sadd.s32 s1, s30  }
0xc7: {  	s0 =	sor.u32 s3, s0;
	s1 =	sshll.u32 s1, $0x11  }
0xc8: {  	s0 =	sor.u32 s1, s0  }
0xc9: {  	s0 =	sadd.s32 $0x8F2B, s0  }
0xca: {  	[sflag:s0] =	ssyncadd.remote.s32 $0x1  }
0xcb: {  	_ =	sfence.sel $0xFFFF  }
0xcc: {  	[dreg:$0x0] =	wrdreg $0xFFFFFFFF;
	(pc) =	sbr.abs _section_cstart, $3  }
0xcd: {  	[dreg:$0x1] =	wrdreg $0xFFFFFFFF  }
0xce: {  	_ =	task.clear_ibuf [dreg:s12], $0x2FFFF;
	_ =	strace $0x9FFFFFFF  }
0xcf: {  	(tm) =	ssettm $0x7FFFFFFF  }
tec
execute0_lowered:
.L_overlay_start_1:
0x0: {  	(tag) =	ssettag $0x1  }
0x1: {  	s0 =	rddreg [dreg:$0x0]  }
0x2: {  	s2 =	rddreg [dreg:$0x1]  }
0x3: {  	s1 =	rddreg [dreg:$0x2]  }
0x4: {  	s4 =	rddreg [dreg:$0x3]  }
0x5: {  	s6 =	rddreg [dreg:$0x4]  }
0x6: {  	s7 =	rddreg [dreg:$0x5]  }
0x7: {  	s8 =	rddreg [dreg:$0x6]  }
0x8: {  	s5 =	srdreg.scid;
	s16 =	stileid.u32;
	s3 =	simm.s32 $0x0  }
0x9: {  	s28 =	simm.s32 $0xF580;
	s29 =	simm.s32 $0x3;
	s30 =	simm.s32 $0x5  }
0xa: {  	s31 =	simm.s32 $0x4;
	s9 =	sand.u32 $0x1, s5;
	s24 =	sshll.u32 s16, $0x1  }
0xb: {  	[smem:$0x7FF] =	sst s3;
	s25 =	sadd.s32 $0xF43400, s4;
	s19 =	smul.u32 $0xC800, s16  }
0xc: {  	s10 =	ssub.s32 $0x2, s9;
	s11 =	sor.u32 s9, s24;
	s24 =	smul.u32 $0x32000, s16  }
0xd: {  	_ =	strace $0x80000047;
	[dreg:$0x8] =	wrdreg s25;
	s25 =	smul.u32 $0x19000, s9  }
0xe: {  	s5 =	sadd.s32 $0x1313E00, s4;
	s12 =	sshrl.u32 s10, $0x1;
	s13 =	smul.u32 $0x6400, s11  }
0xf: {  	s14 =	smul.u32 $0xC8000, s11;
	s26 =	ssub.s32 s10, s12;
	s12 =	sshll.u32 s11, $0x4  }
0x10: {  	s20 =	sshll.u32 s11, $0x9;
	s13 =	sshrl.u32 s13, $0x3;
	s0 =	sadd.s32 s0, s12  }
0x11: {  	s15 =	sadd.s32 s2, s12;
	s18 =	sshrl.u32 s14, $0x3;
	s12 =	sadd.s32 s6, s20  }
0x12: {  	s14 =	smax.u32 s26, $0x1;
	s26 =	sadd.s32 s24, s8;
	[dreg:$0x9] =	wrdreg s0  }
0x13: {  	s24 =	simm.s32 $0x640;
	s6 =	simm.s32 $0x0;
	[dreg:$0xa] =	wrdreg s15  }
0x14: {  	s17 =	sadd.s32 s1, s13;
	s15 =	smul.u32 $0x6400, s9;
	s13 =	sadd.s32 s7, s20  }
0x15: {  	s20 =	simm.s32 $0x80;
	[dreg:$0xb] =	wrdreg s17;
	s0 =	sadd.s32 $0xC8, s17  }
0x16: {  	[dreg:$0xc] =	wrdreg s0;
	s0 =	sadd.s32 s8, s18;
	s22 =	sadd.s32 s15, s19  }
0x17: {  	s18 =	sadd.s32 s25, s26;
	s19 =	simm.s32 $0x7;
	s25 =	simm.s32 $0x2D80  }
0x18: {  	s26 =	simm.s32 $0x2740;
	s21 =	sadd.s32 $0x15E00, s0;
	s0 =	sadd.s32 $0x17700, s0  }
0x19: {  	s2 =	sadd.s32 $0x12C0, s22;
	s23 =	sshll.u32 s22, $0x2;
	[dreg:$0xd] =	wrdreg s21  }
0x1a: {  	s17 =	sadd.s32 $0xC80, s22;
	s22 =	simm.s32 $0x1100;
	[dreg:$0xe] =	wrdreg s0  }
0x1b: {  	s2 =	sshrl.u32 s2, $0x3;
	s4 =	sadd.s32 s8, s23;
	s21 =	simm.s32 $0x1080  }
0x1c: {  	s23 =	simm.s32 $0x2100;
	s0 =	simm.s32 $0x6;
	s15 =	sadd.s32 s2, s1  }
0x1d: {  	s16 =	sadd.s32 $0x1900, s4;
	s2 =	simm.s32 $0x1;
	s4 =	simm.s32 $0x2  }
.LBB2_1:
0x1e: {  	s7 =	rddreg [dreg:$0x9]  }
0x1f: {  	[tilespmem:s3], [sflag:$0x7] =	stream.linear.gather [hbm4b:s7+s3], $0x80, $0x38;
	[tilespmem:$0x1BD80] =	vst v63  }
0x20: {  	_ =	swait.ge [sflag:s19], $0x80  }
0x21: {  	[sflag:s19] =	ssyncset.done $0x0  }
0x22: {  	s9 =	rddreg [dreg:$0x8];
	[sflag:s19] =	ssyncadd.s32 $0xFFFFFF80  }
0x23: {  	[tilespmem:s20], [sflag:$0x1] =	stream.indirect.gather [hbm4b:s9+s20], $0x20, s3, s20, $0xb8;
	[tilespmem:$0x1BD80] =	vst v63  }
0x24: {  	s10 =	rddreg [dreg:$0xa]  }
0x25: {  	[tilespmem:s21], [sflag:$0x7] =	stream.linear.gather [hbm4b:s10+s3], $0x80, $0x38;
	[tilespmem:$0x1BD80] =	vst v63  }
0x26: {  	_ =	swait.ge [sflag:s19], $0x80  }
0x27: {  	[sflag:s19] =	ssyncset.done $0x0  }
0x28: {  	[sflag:s19] =	ssyncadd.s32 $0xFFFFFF80  }
0x29: {  	[tilespmem:s22], [sflag:$0x2] =	stream.indirect.gather [hbm4b:s5+s20], $0x20, s21, s20, $0xb8;
	[tilespmem:$0x1BD80] =	vst v63  }
0x2a: {  	s11 =	rddreg [dreg:$0xb]  }
0x2b: {  	[tilespmem:s23], [sflag:$0x7] =	stream.linear.gather [hbm4b:s11+s3], $0x640, $0x38;
	[tilespmem:$0x1BD80] =	vst v63  }
0x2c: {  	_ =	swait.ge [sflag:s19], $0x640  }
0x2d: {  	[sflag:s19] =	ssyncset.done $0x0  }
0x2e: {  	[sflag:s19] =	ssyncadd.s32 $0xFFFFF9C0  }
0x2f: {  	[tilespmem:s25], [sflag:$0x3] =	stream.indirect.gather [hbm4b:s5+s24], $0x20, s23, s24, $0xb8;
	[tilespmem:$0x1BD80] =	vst v63  }
0x30: {  	s8 =	rddreg [dreg:$0xc]  }
0x31: {  	[tilespmem:s26], [sflag:$0x7] =	stream.linear.gather [hbm4b:s8+s3], $0x640, $0x38;
	[tilespmem:$0x1BD80] =	vst v63  }
0x32: {  	_ =	swait.ge [sflag:s19], $0x640  }
0x33: {  	[sflag:s19] =	ssyncset.done $0x0  }
0x34: {  	[sflag:s19] =	ssyncadd.s32 $0xFFFFF9C0  }
0x35: {  	[tilespmem:s28], [sflag:$0x4] =	stream.indirect.gather [hbm4b:s5+s24], $0x20, s26, s24, $0xb8;
	[tilespmem:$0x1BD80] =	vst v63  }
0x36: {  	_ =	swait.ge [sflag:s29], $0xC800  }
0x37: {  	[sflag:s29] =	ssyncset.done $0x0  }
0x38: {  	s9 =	sadd.s32 $0x0, s18;
	[sflag:s29] =	ssyncadd.s32 $0xFFFF3800  }
0x39: {  	[hbm4b:s9+s3] =	stream.linear.scatter [tilespmem:s25], [sflag:$0x5], $0xC800, $0x38;
	[tilespmem:$0x1BD80] =	vst v63  }
0x3a: {  	_ =	swait.ge [sflag:s30], $0xC800  }
0x3b: {  	s10 =	sshrl.u32 s17, $0x3;
	[sflag:s30] =	ssyncset.done $0x0  }
0x3c: {  	s7 =	sadd.s32 s1, s10;
	[sflag:s30] =	ssyncadd.s32 $0xFFFF3800  }
0x3d: {  	[tilespmem:s23], [sflag:$0x7] =	stream.linear.gather [hbm4b:s7+s3], $0x640, $0x38;
	[tilespmem:$0x1BD80] =	vst v63  }
0x3e: {  	_ =	swait.ge [sflag:s19], $0x640  }
0x3f: {  	[sflag:s19] =	ssyncset.done $0x0  }
0x40: {  	[sflag:s19] =	ssyncadd.s32 $0xFFFFF9C0  }
0x41: {  	[tilespmem:s25], [sflag:$0x3] =	stream.indirect.gather [hbm4b:s5+s24], $0x20, s23, s24, $0xb8;
	[tilespmem:$0x1BD80] =	vst v63  }
0x42: {  	_ =	swait.ge [sflag:s31], $0xC800  }
0x43: {  	[sflag:s31] =	ssyncset.done $0x0  }
0x44: {  	s11 =	sadd.s32 $0x0, s16;
	[sflag:s31] =	ssyncadd.s32 $0xFFFF3800  }
0x45: {  	[hbm4b:s11+s3] =	stream.linear.scatter [tilespmem:s28], [sflag:$0x6], $0xC800, $0x38;
	[tilespmem:$0x1BD80] =	vst v63  }
0x46: {  	_ =	swait.ge [sflag:s0], $0xC800  }
0x47: {  	[sflag:s0] =	ssyncset.done $0x0  }
0x48: {  	[sflag:s0] =	ssyncadd.s32 $0xFFFF3800  }
0x49: {  	[tilespmem:s26], [sflag:$0x7] =	stream.linear.gather [hbm4b:s15+s3], $0x640, $0x38;
	[tilespmem:$0x1BD80] =	vst v63  }
0x4a: {  	_ =	swait.ge [sflag:s19], $0x640  }
0x4b: {  	s8 =	sadd.s32 $0xC80, s17;
	[sflag:s19] =	ssyncset.done $0x0  }
0x4c: {  	s9 =	sadd.s32 $0x190, s15;
	s7 =	simm.s32 $0x3200;
	[sflag:s19] =	ssyncadd.s32 $0xFFFFF9C0  }
.LBB2_2:
0x4d: {  	[tilespmem:s28], [sflag:$0x4] =	stream.indirect.gather [hbm4b:s5+s24], $0x20, s26, s24, $0xb8;
	[tilespmem:$0x1BD80] =	vst v63  }
0x4e: {  	s10 =	smov.u32 s7  }
0x4f: {  	p0 =	sne.s32 s7, $0x12C00;
	s7 =	sadd.s32 $0x3200, s7;
	_ =	swait.ge [sflag:s29], $0xC800  }
0x50: {  	[sflag:s29] =	ssyncset.done $0x0  }
0x51: {  	s11 =	sadd.s32 s10, s18;
	[sflag:s29] =	ssyncadd.s32 $0xFFFF3800  }
0x52: {  	[hbm4b:s11+s3] =	stream.linear.scatter [tilespmem:s25], [sflag:$0x5], $0xC800, $0x38;
	[tilespmem:$0x1BD80] =	vst v63  }
0x53: {  	_ =	swait.ge [sflag:s30], $0xC800  }
0x54: {  	s11 =	sshrl.u32 s8, $0x3;
	[sflag:s30] =	ssyncset.done $0x0  }
0x55: {  	s11 =	sadd.s32 s1, s11;
	[sflag:s30] =	ssyncadd.s32 $0xFFFF3800  }
0x56: {  	[tilespmem:s23], [sflag:$0x7] =	stream.linear.gather [hbm4b:s11+s3], $0x640, $0x38;
	[tilespmem:$0x1BD80] =	vst v63  }
0x57: {  	_ =	swait.ge [sflag:s19], $0x640  }
0x58: {  	[sflag:s19] =	ssyncset.done $0x0  }
0x59: {  	[sflag:s19] =	ssyncadd.s32 $0xFFFFF9C0  }
0x5a: {  	[tilespmem:s25], [sflag:$0x3] =	stream.indirect.gather [hbm4b:s5+s24], $0x20, s23, s24, $0xb8;
	[tilespmem:$0x1BD80] =	vst v63  }
0x5b: {  	_ =	swait.ge [sflag:s31], $0xC800  }
0x5c: {  	[sflag:s31] =	ssyncset.done $0x0  }
0x5d: {  	s10 =	sadd.s32 s10, s16;
	[sflag:s31] =	ssyncadd.s32 $0xFFFF3800  }
0x5e: {  	[hbm4b:s10+s3] =	stream.linear.scatter [tilespmem:s28], [sflag:$0x6], $0xC800, $0x38;
	[tilespmem:$0x1BD80] =	vst v63  }
0x5f: {  	_ =	swait.ge [sflag:s0], $0xC800  }
0x60: {  	[sflag:s0] =	ssyncset.done $0x0  }
.Ltmp0:
0x61: {  	[sflag:s0] =	ssyncadd.s32 $0xFFFF3800;
	(pc) =	sbr.rel @p0 .LBB2_2-.Ltmp0, $4  }
0x62: {  	[tilespmem:s26], [sflag:$0x7] =	stream.linear.gather [hbm4b:s9+s3], $0x640, $0x38;
	[tilespmem:$0x1BD80] =	vst v63  }
0x63: {  	_ =	swait.ge [sflag:s19], $0x640  }
0x64: {  	[sflag:s19] =	ssyncset.done $0x0  }
0x65: {  	s8 =	sadd.s32 $0xC80, s8;
	s9 =	sadd.s32 $0x190, s9;
	[sflag:s19] =	ssyncadd.s32 $0xFFFFF9C0  }
0x66: {  	[tilespmem:s28], [sflag:$0x4] =	stream.indirect.gather [hbm4b:s5+s24], $0x20, s26, s24, $0xb8;
	[tilespmem:$0x1BD80] =	vst v63  }
0x67: {  	_ =	swait.ge [sflag:s29], $0xC800  }
0x68: {  	[sflag:s29] =	ssyncset.done $0x0  }
0x69: {  	s7 =	rddreg [dreg:$0xd];
	[sflag:s29] =	ssyncadd.s32 $0xFFFF3800  }
0x6a: {  	[hbm4b:s7+s3] =	stream.linear.scatter [tilespmem:s25], [sflag:$0x5], $0xC800, $0x38;
	[tilespmem:$0x1BD80] =	vst v63  }
0x6b: {  	_ =	swait.ge [sflag:s31], $0xC800  }
0x6c: {  	[sflag:s31] =	ssyncset.done $0x0  }
0x6d: {  	s11 =	rddreg [dreg:$0xe];
	[sflag:s31] =	ssyncadd.s32 $0xFFFF3800  }
0x6e: {  	[hbm4b:s11+s3] =	stream.linear.scatter [tilespmem:s28], [sflag:$0x6], $0xC800, $0x38;
	[tilespmem:$0x1BD80] =	vst v63  }
0x6f: {  	_ =	swait.ge [sflag:s30], $0xC800  }
0x70: {  	[sflag:s30] =	ssyncset.done $0x0  }
0x71: {  	[sflag:s30] =	ssyncadd.s32 $0xFFFF3800  }
0x72: {  	_ =	swait.ge [sflag:s0], $0xC800  }
0x73: {  	[sflag:s0] =	ssyncset.done $0x0  }
0x74: {  	[sflag:s0] =	ssyncadd.s32 $0xFFFF3800  }
0x75: {  	_ =	swait.ge [sflag:s2], $0x1000  }
0x76: {  	[sflag:s2] =	ssyncset.done $0x0  }
0x77: {  	[sflag:s2] =	ssyncadd.s32 $0xFFFFF000  }
0x78: {  	[hbm4b:s12+s3] =	stream.linear.scatter [tilespmem:s20], [sflag:$0x7], $0x1000, $0x38;
	[tilespmem:$0x1BD80] =	vst v63  }
0x79: {  	_ =	swait.ge [sflag:s19], $0x1000  }
0x7a: {  	[sflag:s19] =	ssyncset.done $0x0  }
0x7b: {  	[sflag:s19] =	ssyncadd.s32 $0xFFFFF000  }
0x7c: {  	s6 =	sadd.s32 $0x1, s6;
	_ =	swait.ge [sflag:s4], $0x1000  }
0x7d: {  	p0 =	sne.s32 s6, s14;
	[sflag:s4] =	ssyncset.done $0x0  }
.Ltmp1:
0x7e: {  	[sflag:s4] =	ssyncadd.s32 $0xFFFFF000;
	(pc) =	sbr.rel @p0 .LBB2_1-.Ltmp1, $4  }
0x7f: {  	[hbm4b:s13+s3] =	stream.linear.scatter [tilespmem:s22], [sflag:$0x7], $0x1000, $0x38;
	[tilespmem:$0x1BD80] =	vst v63  }
0x80: {  	_ =	swait.ge [sflag:s19], $0x1000  }
0x81: {  	[sflag:s19] =	ssyncset.done $0x0  }
0x82: {  	[sflag:s19] =	ssyncadd.s32 $0xFFFFF000  }
0x83: {  	_ =	sfence.sel $0x180000  }
0x84: {  	[bflag:$0x0] =	sbarrier.arrive $0xFFFF  }
0x85: {  	_ =	strace $0x90000047  }
0x86: {  	s0 =	stileid.u32;
	[bflag:$0x2] =	sbarrier.arrive $0xFFFF  }
0x87: {  	p0 =	sne.s32 s0, $0x0;
	s0 =	rddreg [dreg:$0x7]  }
0x88: {  	s0 =	sadd.s32 @!p0 $0x100000, s0  }
0x89: {  	[sflag:s0] =	ssyncadd.tile.s32 @!p0 $0x1;
	_ =	shalt  }
.Lfunc_end2:
_tile_overlayer_lowered:
.L_overlay_start_2:
0x8a: {  	(tag) =	ssettag $0x2  }
0x8b: {  	s0 =	rddreg [dreg:$0x0];
	s2 =	stileid.u32  }
0x8c: {  	s1 =	rddreg [dreg:$0x1];
	p0 =	sne.s32 s2, $0x0  }
0x8d: {  	s3 =	rddreg [dreg:$0x2];
	[bflag:$0x3] =	sbarrier.arrive $0xFFFF;
	s2 =	simm.s32 @!p0 $0x1C07  }
0x8e: {  	[timem:s3], [sflag:s2] =	dma.local @!p0 [hbm:s0], s1  }
0x8f: {  	s0 =	simm.s32 @!p0 $0x7  }
0x90: {  	_ =	swait.ge @!p0 [sflag:s0], s1  }
0x91: {  	s1 =	ssub.s32 @!p0 $0x0, s1;
	[sflag:s0] =	ssyncset.done @!p0 $0x0  }
0x92: {  	[sflag:s0] =	ssyncadd.s32 @!p0 s1  }
0x93: {  	[bflag:$0x3] =	sbarrier.arrive $0xFFFF  }
0x94: {  	_ =	shalt  }

// kernel: sparse-core-data-format-call.cloned.1.call-start
scs
called_computation_lowered:
.L_overlay_start_0:
0x0: {  	s2 =	sld [smem:$0x3FD9]  }
0x1: {  	s3 =	sld [smem:$0x3FFE];
	_ =	sdelay $0x1  }
0x2: {  	s1 =	srdreg.scid  }
0x3: {  	s0 =	sand.u32 $0x1, s1  }
0x4: {  	s15 =	sshll.u32 s0, $0xA;
	s2 =	sadd.s32 s3, s2  }
0x5: {  	s2 =	sadd.s32 s2, s15  }
0x6: {  	[smem:$0x3FC3] =	sst s2  }
0x7: {  	_ = 	snop  }
0x8: {  	s2 =	sld [smem:$0x3FD0];
	_ =	sdelay $0x2  }
0x9: {  	s16 =	simm.s32 $0xA;
	s4 =	simm.s32 $0x10  }
0xa: {  	[smem:s4], [sflag:s16] =	dma.local [hbm:s2], $0x1  }
0xb: {  	_ =	swait.eq [sflag:s16], $0x1  }
0xc: {  	[sflag:s16] =	ssyncset.done $0x0  }
0xd: {  	[sflag:s16] =	ssyncadd.s32 $0xFFFFFFFF  }
0xe: {  	s17 =	sld [smem:$0x12];
	(tm) =	ssettm $0x1  }
0xf: {  	s18 =	sld [smem:$0x3FFB];
	_ =	sdelay $0x3  }
0x10: {  	_ =	strace s18  }
0x11: {  	s3 =	sld [smem:$0x3FFC];
	_ =	sdelay $0x3  }
0x12: {  	_ =	strace s3  }
0x13: {  	s3 =	sld [smem:$0x3FFD];
	_ =	sdelay $0x3  }
0x14: {  	_ =	strace s3  }
0x15: {  	_ =	strace $0x8FFFFFFF  }
0x16: {  	s19 =	sld [smem:$0x3FDB];
	_ =	sdelay $0x1  }
0x17: {  	s20 =	simm.s32 $_scs_section_size  }
0x18: {  	s5 =	simm.s32 $_size__tile_overlayer_lowered;
	s6 =	simm.s32 $_tile_overlayer_lowered  }
0x19: {  	s23 =	simm.s32 $0x1BFF;
	s22 =	sshll.u32 s6, $0x1;
	s3 =	sadd.s32 s20, s19  }
0x1a: {  	s7 =	simm.s32 $0x0;
	s21 =	sshll.u32 s5, $0x1;
	s5 =	sadd.s32 s22, s3  }
0x1b: {  	[timem:s7], [sflag:s23] =	dma.local [hbm:s5], s21  }
0x1c: {  	_ =	swait.ge [sflag:s23], s21  }
0x1d: {  	s4 =	ssub.s32 $0x0, s21;
	[sflag:s23] =	ssyncset.done $0x0  }
0x1e: {  	[sflag:s23] =	ssyncadd.s32 s4;
	_ =	sdelay $0x1  }
0x1f: {  	s24 =	simm.s32 $0x1B8B  }
0x20: {  	_ =	swait.ge [sflag:s24], $0x1  }
0x21: {  	[sflag:s24] =	ssyncset.done $0x0  }
0x22: {  	s26 =	simm.s32 $0x1B8E;
	s25 =	sld [smem:$0x3FFE];
	[sflag:s24] =	ssyncadd.s32 $0xFFFFFFFF  }
0x23: {  	s27 =	simm.s32 $execute0_lowered;
	[smem:$0x3FD2] =	sst s26  }
0x24: {  	s5 =	sshll.u32 s27, $0x1;
	_ =	strace $0x80000049;
	[dreg:$0x1] =	wrdreg $0xFFFFFFFF  }
0x25: {  	s28 =	simm.s32 $_size_execute0_lowered;
	s3 =	sadd.s32 s3, s5;
	[dreg:$0x0] =	wrdreg $0x0  }
0x26: {  	s5 =	sshll.u32 s28, $0x1;
	[dreg:$0x2] =	wrdreg s3  }
0x27: {  	[dreg:$0x3] =	wrdreg s5  }
0x28: {  	[dreg:$0x4] =	wrdreg $0xC0  }
0x29: {  	_ =	task [dreg:s7], $0x5FFFF  }
0x2a: {  	[dreg:$0x1] =	wrdreg $0xFFFFFFFF  }
0x2b: {  	[dreg:$0x0] =	wrdreg $0x60  }
0x2c: {  	[dreg:$0x2] =	wrdreg s25  }
0x2d: {  	[dreg:$0x3] =	wrdreg s17  }
0x2e: {  	[dreg:$0x4] =	wrdreg $0x9  }
0x2f: {  	_ =	task.clear_ibuf [dreg:s7], $0x5FFFF;
	_ =	strace $0x90000049  }
0x30: {  	s29 =	simm.s32 $0x9;
	_ =	strace $0x8000004B  }
0x31: {  	_ =	swait.ge [sflag:s29], $0x1  }
0x32: {  	[sflag:s29] =	ssyncadd.s32 $0xFFFFFFFF  }
0x33: {  	_ =	strace $0x9000004B  }
0x34: {  	_ =	sfence  }
0x35: {  	s30 =	sld [smem:$0x0];
	_ =	sdelay $0x2  }
0x36: {  	s31 =	sshll.u32 s1, $0xD;
	s1 =	sshrl.u32 s1, $0x2  }
0x37: {  	s3 =	sand.u32 $0x4000, s31;
	s1 =	sadd.s32 s1, s30  }
0x38: {  	s0 =	sor.u32 s3, s0;
	s1 =	sshll.u32 s1, $0x11  }
0x39: {  	s0 =	sor.u32 s1, s0  }
0x3a: {  	s0 =	sadd.s32 $0x8F2B, s0  }
0x3b: {  	[sflag:s0] =	ssyncadd.remote.s32 $0x1  }
0x3c: {  	_ =	sfence.sel $0xFFFF  }
0x3d: {  	[dreg:$0x0] =	wrdreg $0xFFFFFFFF;
	(pc) =	sbr.abs _section_cstart, $3  }
0x3e: {  	[dreg:$0x1] =	wrdreg $0xFFFFFFFF  }
0x3f: {  	_ =	task.clear_ibuf [dreg:s7], $0x2FFFF;
	_ =	strace $0x9FFFFFFF  }
0x40: {  	(tm) =	ssettm $0x7FFFFFFF  }
0x41: {  	_ =	shalt  }
tec
execute0_lowered:
.L_overlay_start_1:
0x0: {  	(tag) =	ssettag $0x1  }
0x1: {  	s0 =	srdreg.scid  }
0x2: {  	s1 =	sshll.u32 s0, $0x4  }
0x3: {  	s4 =	rddreg [dreg:$0x0];
	s0 =	stileid.u32;
	s1 =	sand.u32 $0x10, s1  }
0x4: {  	s2 =	rddreg [dreg:$0x1];
	s7 =	simm.s32 $0x1;
	s1 =	sor.u32 s0, s1  }
0x5: {  	s8 =	simm.s32 $0x2;
	s11 =	simm.s32 $0x0;
	s3 =	sshll.u32 s1, $0x7  }
0x6: {  	s10 =	simm.s32 $0x0;
	s4 =	sadd.s32 $0x1000, s4;
	s6 =	ssub.s32 $0xC8000, s3  }
.Ltmp0:
0x7: {  	s1 =	rddreg [dreg:$0x2];
	s5 =	sand.u32 $0xF80, s6;
	(pc) =	sbr.rel .LBB1_1-.Ltmp0, $4  }
0x8: {  	_ =	strace $0x8000004A;
	s9 =	smov.u32 s3;
	p0 =	sne.s32 s5, $0x0  }
0x9: {  	s6 =	sshrl.u32 s6, $0xC;
	s5 =	simm.s32 $0x1;
	s7 =	simm.s32 @!p0 $0x0  }
0xa: {  	[sflag:s5] =	ssyncpa.u1 $0x0;
	p0 =	por $0x0, $0x0;
	s6 =	sadd.s32 s7, s6  }
0xb: {  	[sflag:s8] =	ssyncpa.u1 $0x0;
	s8 =	simm.s32 $0x640000;
	s7 =	sadd.s32 $0x1, s6  }
.LBB1_4:
0xc: {  	s14 =	sshll.u32 s11, $0x3  }
0xd: {  	s30 =	sand.u32 $0x7F, s11;
	s15 =	sand.u32 $0xFFFFFC00, s14  }
0xe: {  	s11 =	sor.u32 s30, s15  }
0xf: {  	s15 =	smulhi.u32 $0x51EB851F, s11  }
0x10: {  	s14 =	smulhi.u32 $0x51EB851F, s14  }
0x11: {  	s15 =	sshrl.u32 s15, $0x12  }
0x12: {  	s14 =	sshrl.u32 s14, $0x12;
	s15 =	smul.u32 $0xC8000, s15  }
0x13: {  	s14 =	sand.u32 $0x1F, s14  }
0x14: {  	s14 =	smul.u32 $0x19000, s14;
	s11 =	ssub.s32 s11, s15  }
0x15: {  	s15 =	sand.u32 $0x7, s11  }
0x16: {  	s14 =	sadd.s32 s2, s14;
	s11 =	sshrl.u32 s11, $0x3;
	s15 =	sshll.u32 s15, $0x12  }
0x17: {  	[tilespmem:s13+$0x0 ss:$0x81] =	vst.msk $0xffff, v0;
	s11 =	sadd.s32 s11, s14;
	s31 =	sor.u32 $0x400, s15  }
0x18: {  	[hbm4b:s11+s31] =	stream.strided.scatter [tilespmem:s12], [sflag:$0x2], $0x1000, s8, s31, $0x20;
	[tilespmem:$0x4040] =	vst v63  }
.LBB1_5:
0x19: {  	s13 =	sadd.s32 $0x1000, s9  }
0x1a: {  	p2 =	sgt.s32 s13, $0xC7FFF  }
0x1b: {  	s13 =	smov.u32 @p2 s3;
	p2 =	sne.s32 s10, s7  }
.Ltmp1:
0x1c: {  	p1 =	slt.u32 s10, $0x2;
	(pc) =	sbr.rel @!p2 .LBB1_6-.Ltmp1, $4  }
0x1d: {  	s12 =	simm.s32 @!p1 $0x2  }
0x1e: {  	s14 =	sadd.s32 $0x1, s10;
	_ =	swait.ge @!p1 [sflag:s12], $0x1000  }
0x1f: {  	s11 =	smov.u32 s9;
	p0 =	por !p0, !p0;
	[sflag:s12] =	ssyncset.done @!p1 $0x0  }
0x20: {  	s10 =	smov.u32 s14;
	s9 =	smov.u32 s13;
	[sflag:s12] =	ssyncadd.s32 @!p1 $0xFFFFF000  }
.LBB1_1:
0x21: {  	p1 =	sge.u32 s10, s6  }
0x22: {  	s12 =	sand.u32 @!p1 $0x1FFFFFF, s9  }
0x23: {  	s13 =	smulhi.u32 @!p1 $0x147AE15, s12;
	_ =	sdelay $0x1  }
0x24: {  	s13 =	sshrl.u32 @!p1 s13, $0xC  }
0x25: {  	s13 =	smul.u32 @!p1 $0xC8000, s13;
	_ =	sdelay $0x1  }
0x26: {  	s31 =	sadd.s32 $0xFFFFFFFF, s10;
	s14 =	sxor.u32 @!p1 $0xFFFFFFFF, s10;
	s12 =	ssub.s32 @!p1 s12, s13  }
0x27: {  	s15 =	simm.s32 @!p1 $0x80;
	s14 =	sshll.u32 @!p1 s14, $0xC;
	s12 =	sshll.u32 @!p1 s12, $0x4  }
0x28: {  	s13 =	sand.u32 @!p1 $0x1000, s14;
	s14 =	simm.s32 @!p1 $0x20;
	s12 =	sadd.s32 @!p1 s4, s12  }
0x29: {  	[tilespmem:s13], [sflag:$0x1] =	stream.strided.gather @!p1 [hbm4b:s12+s14], $0x1000, s15, s14, $0x38;
	[tilespmem:$0x4040] =	vst v63  }
0x2a: {  	p1 =	sge.u32 s31, s6  }
.Ltmp2:
0x2b: {  	_ = 	snop;
	(pc) =	sbr.rel @p1 .LBB1_5-.Ltmp2, $1  }
0x2c: {  	_ =	sdelay $0x3  }
0x2d: {  	s12 =	simm.s32 $0x1  }
0x2e: {  	_ =	swait.ge [sflag:s5], $0x1000;
	s12 =	simm.s32 @!p0 $0x0  }
0x2f: {  	[sflag:s5] =	ssyncset.done $0x0;
	s13 =	sshll.u32 s12, $0xC  }
0x30: {  	[sflag:s5] =	ssyncadd.s32 $0xFFFFF000;
	s16 =	sor.u32 $0x10, s13  }
0x31: {  	s12 =	smul.u32 $0x4080, s12;
	v1 =	vld [tilespmem:s16+$0x0]  }
0x32: {  	s30 =	sand.u32 $0x1, s10;
	v0 =	vld [tilespmem:s16+$0xFFFFFFF0]  }
0x33: {  	s13 =	smul.u32 $0x4080, s30;
	s12 =	sshrl.u32 s12, $0x2  }
0x34: {  	s14 =	sor.u32 $0x2000, s12  }
0x35: {  	s31 =	sshrl.u32 s13, $0x2;
	s13 =	sadd.s32 $0x0, s14  }
0x36: {  	s15 =	simm.s32 $0x4;
	s16 =	sadd.s32 $0x20, s16;
	s12 =	sor.u32 $0x2000, s31;
	[tilespmem:s13+$0x810 ss:$0x81] =	vst.msk $0xffff, v1  }
.LBB1_3:
0x37: {  	v1 =	vld [tilespmem:s16+$0x0];
	p1 =	sne.s32 s15, $0x1FC;
	[tilespmem:s13+$0x0 ss:$0x81] =	vst.msk $0xffff, v0;
	s13 =	smov.u32 s15;
	s15 =	sadd.s32 $0x4, s15  }
.Ltmp3:
0x38: {  	v0 =	vld [tilespmem:s16+$0xFFFFFFF0];
	(pc) =	sbr.rel @p1 .LBB1_3-.Ltmp3, $4  }
0x39: {  	_ = 	snop  }
0x3a: {  	s13 =	sshra.s32 s13, $0x2  }
0x3b: {  	s13 =	sadd.s32 s13, s14  }
0x3c: {  	s16 =	sadd.s32 $0x20, s16;
	[tilespmem:s13+$0x810 ss:$0x81] =	vst.msk $0xffff, v1  }
.Ltmp4:
0x3d: {  	_ = 	snop;
	(pc) =	sbr.rel .LBB1_4-.Ltmp4, $1  }
0x3e: {  	_ =	sdelay $0x3  }
.LBB1_6:
0x3f: {  	_ =	sfence.sel $0x180000  }
0x40: {  	s2 =	simm.s32 $0x1;
	[bflag:$0x0] =	sbarrier.arrive $0xFFFF  }
0x41: {  	s31 =	simm.s32 $0x2;
	[sflag:s2] =	ssyncpa.u1 $0x1  }
0x42: {  	[sflag:s31] =	ssyncpa.u1 $0x1  }
0x43: {  	p0 =	sne.s32 s0, $0x0;
	_ =	strace $0x9000004A  }
0x44: {  	s0 =	sadd.s32 @!p0 $0x100000, s1;
	[bflag:$0x2] =	sbarrier.arrive $0xFFFF  }
0x45: {  	[sflag:s0] =	ssyncadd.tile.s32 @!p0 $0x1;
	_ =	shalt  }
.Lfunc_end1:
_tile_overlayer_lowered:
.L_overlay_start_2:
0x46: {  	(tag) =	ssettag $0x2  }
0x47: {  	s0 =	rddreg [dreg:$0x0];
	s2 =	stileid.u32  }
0x48: {  	s1 =	rddreg [dreg:$0x1];
	p0 =	sne.s32 s2, $0x0  }
0x49: {  	s3 =	rddreg [dreg:$0x2];
	[bflag:$0x3] =	sbarrier.arrive $0xFFFF;
	s2 =	simm.s32 @!p0 $0x1C01  }
0x4a: {  	[timem:s3], [sflag:s2] =	dma.local @!p0 [hbm:s0], s1  }
0x4b: {  	s0 =	simm.s32 @!p0 $0x1  }
0x4c: {  	_ =	swait.ge @!p0 [sflag:s0], s1  }
0x4d: {  	s1 =	ssub.s32 @!p0 $0x0, s1;
	[sflag:s0] =	ssyncset.done @!p0 $0x0  }
0x4e: {  	[sflag:s0] =	ssyncadd.s32 @!p0 s1  }
0x4f: {  	[bflag:$0x3] =	sbarrier.arrive $0xFFFF  }
0x50: {  	_ =	shalt  }

</sc_bundles>
